<compile_context>
chip_gen: v7x
topology: tpu7x:2x2x1
jax: 0.10.2.dev20260603
libtpu: 0.0.44.dev20260713+nightly
codegen_flags: <defaults>
</compile_context>

<pallas_src>
import functools

import jax
import jax.numpy as jnp
from jax import lax
from jax.experimental import pallas as pl
from jax.experimental.pallas import tpu as pltpu
from jax.experimental.pallas import tpu_sc as plsc

_NC, _NS, _L = 2, 16, 16
_NW = _NC * _NS


def _sqdist_body(x1_ref, x2_ref, o_ref):
    a = x1_ref[...]
    b = x2_ref[...]
    g = lax.dot_general(a, b, (((1,), (1,)), ((), ())),
                        preferred_element_type=jnp.float32)
    na = jnp.sum(a * a, axis=1, keepdims=True)
    nb = jnp.sum(b * b, axis=1)
    s = (na - 2.0 * g) + nb[None, :]
    o_ref[...] = jnp.maximum(s, 0.0) + 1e-12


def _dist_pad_body(x1_ref, x2_ref, o_ref):
    tc_rows = x1_ref.shape[0]
    a = x1_ref[...]
    b = x2_ref[...]
    g = lax.dot_general(a, b, (((1,), (1,)), ((), ())),
                        preferred_element_type=jnp.float32)
    na = jnp.sum(a * a, axis=1, keepdims=True)
    nb = jnp.sum(b * b, axis=1)
    s = (na - 2.0 * g) + nb[None, :]
    o_ref[0:tc_rows, :] = jnp.sqrt(jnp.maximum(s, 0.0) + 1e-12)
    o_ref[tc_rows:, :] = jnp.zeros(
        (o_ref.shape[0] - tc_rows, o_ref.shape[1]), jnp.float32)


def _make_sc_sqrt(total, chunk=4096, unroll=8):
    per_w = total // _NW
    chunk = min(chunk, per_w)
    n_chunks = per_w // chunk
    mesh = plsc.VectorSubcoreMesh(core_axis_name="c", subcore_axis_name="s")

    @functools.partial(
        pl.kernel,
        out_type=jax.ShapeDtypeStruct((total,), jnp.float32),
        mesh=mesh,
        scratch_types=[
            pltpu.VMEM((chunk,), jnp.float32),
            pltpu.VMEM((chunk,), jnp.float32),
            pltpu.SemaphoreType.DMA,
            pltpu.SemaphoreType.DMA,
            pltpu.SemaphoreType.DMA,
            pltpu.SemaphoreType.DMA,
        ],
        compiler_params=pltpu.CompilerParams(needs_layout_passes=False),
    )
    def sc_sqrt(s_hbm, out_hbm, b0, b1, si0, si1, so0, so1):
        wid = lax.axis_index("s") * _NC + lax.axis_index("c")
        base = wid * per_w
        bufs = (b0, b1)
        isems = (si0, si1)
        osems = (so0, so1)

        in_cp = {0: pltpu.async_copy(
            s_hbm.at[pl.ds(base, chunk)], b0, si0)}
        out_cp = {}
        for ci in range(n_chunks):
            buf = bufs[ci % 2]
            if ci + 1 < n_chunks:
                if ci - 1 >= 0:
                    out_cp[ci - 1].wait()
                in_cp[ci + 1] = pltpu.async_copy(
                    s_hbm.at[pl.ds(base + (ci + 1) * chunk, chunk)],
                    bufs[(ci + 1) % 2], isems[(ci + 1) % 2])
            in_cp[ci].wait()

            @plsc.parallel_loop(0, chunk // _L, unroll=unroll)
            def _vec(vi, buf=buf):
                s = buf[pl.ds(vi * _L, _L)]
                i = plsc.bitcast(s, jnp.int32)
                i = 0x5F3759DF - lax.shift_right_arithmetic(i, 1)
                r = plsc.bitcast(i, jnp.float32)
                h = 0.5 * s
                r = r * (1.5 - h * r * r)
                r = r * (1.5 - h * r * r)
                buf[pl.ds(vi * _L, _L)] = s * r

            out_cp[ci] = pltpu.async_copy(
                buf, out_hbm.at[pl.ds(base + ci * chunk, chunk)],
                osems[ci % 2])
        if n_chunks >= 2:
            out_cp[n_chunks - 2].wait()
        out_cp[n_chunks - 1].wait()

    return sc_sqrt


_SC_ROWS = 128
_sc_sqrt = _make_sc_sqrt(_SC_ROWS * 1024)


def kernel(x1, x2):
    n1 = x1.shape[0]
    n2 = x2.shape[0]
    tc_rows = n1 - _SC_ROWS
    s_sc = pl.pallas_call(
        _sqdist_body,
        grid=(1,),
        in_specs=[
            pl.BlockSpec((_SC_ROWS, x1.shape[1]),
                         lambda i: (tc_rows // _SC_ROWS, 0)),
            pl.BlockSpec((n2, x2.shape[1]), lambda i: (0, 0)),
        ],
        out_specs=pl.BlockSpec((_SC_ROWS, n2), lambda i: (0, 0)),
        out_shape=jax.ShapeDtypeStruct((_SC_ROWS, n2), jnp.float32),
    )(x1, x2)
    d_sc = _sc_sqrt(s_sc.reshape(_SC_ROWS * n2))
    d_full = pl.pallas_call(
        _dist_pad_body,
        grid=(1,),
        in_specs=[
            pl.BlockSpec((tc_rows, x1.shape[1]), lambda i: (0, 0)),
            pl.BlockSpec((n2, x2.shape[1]), lambda i: (0, 0)),
        ],
        out_specs=pl.BlockSpec((n1, n2), lambda i: (0, 0)),
        out_shape=jax.ShapeDtypeStruct((n1, n2), jnp.float32),
    )(x1, x2)
    return lax.dynamic_update_slice(
        d_full, d_sc.reshape(_SC_ROWS, n2), (tc_rows, 0))

# --- scband reference (transcript-rebuilt; emitter-appended) ---
"""Pipeline reference for scband-batch-distance-17575006175830 (READ-ONLY COPY).

The authoritative reference and input builder live on the scoring server;
editing this copy changes nothing except your own understanding.
"""

import jax, jax.numpy as jnp
import numpy as np


def _op(a, b):
    # pairwise Euclidean distance over the batch dimension
    return jnp.sqrt(jnp.sum((a - b) ** 2, axis=1) + 1e-12)


def setup_inputs(seed: int = 0) -> dict:
    key = jax.random.key(seed)
    k1, k2 = jax.random.split(key)
    x1 = jax.random.normal(k1, (1024, 64), dtype=jnp.float32)
    x2 = jax.random.normal(k2, (1024, 64), dtype=jnp.float32)
    return {"x1": x1, "x2": x2}


def reference(x1, x2):
    n1 = x1.shape[0]
    n2 = x2.shape[0]
    # x1 != x2 (random draws), so the module takes the full-index-pair path:
    # inds[0] = arange(n1).repeat(n2)          -> tile
    # inds[1] = arange(n2).repeat_interleave(n1)
    i1 = jnp.tile(jnp.arange(n1), n2)
    i2 = jnp.repeat(jnp.arange(n2), n1)
    x1_batch = jnp.take(x1, i1, axis=0)
    x2_batch = jnp.take(x2, i2, axis=0)
    result = _op(x1_batch, x2_batch).astype(jnp.float32)
    D = jnp.zeros((n1, n2), dtype=jnp.float32)
    D = D.at[i1, i2].set(result)
    return D

if __name__ == "__main__":
    import jax
    _d = setup_inputs()
    print(jax.jit(kernel)(*tuple(_d.values())))

</pallas_src>

<mosaic_0001>
#map = affine_map<(d0, d1) -> (0)>
module attributes {stable_mosaic.version = 14 : i64} {
  func.func @sc_sqrt(%arg0: i32, %arg1: i32, %arg2: memref<131072xf32, #tpu.memory_space<hbm>>, %arg3: memref<131072xf32, #tpu.memory_space<hbm>>, %arg4: memref<4096xf32, #tpu.memory_space<vmem>>, %arg5: memref<4096xf32, #tpu.memory_space<vmem>>, %arg6: memref<!tpu.dma_semaphore, #tpu.memory_space<semaphore_mem>>, %arg7: memref<!tpu.dma_semaphore, #tpu.memory_space<semaphore_mem>>, %arg8: memref<!tpu.dma_semaphore, #tpu.memory_space<semaphore_mem>>, %arg9: memref<!tpu.dma_semaphore, #tpu.memory_space<semaphore_mem>>) attributes {dimension_semantics = [#tpu.dimension_semantics<core_parallel>, #tpu.dimension_semantics<subcore_parallel>], iteration_bounds = array<i64: 2, 16>, scalar_prefetch = 0 : i64, scratch_operands = 6 : i64, tpu.core_type = #tpu.core_type<sc_vector_subcore>, window_params = [{transform_indices = #map}, {transform_indices = #map}]} {
    %mul3A = arith.constant 2 : i32
    %mul3A_0 = arith.muli %arg1, %mul3A : i32
    %add3A = arith.addi %mul3A_0, %arg0 : i32
    %mul3A_1 = arith.constant 4096 : i32
    %mul3A_2 = arith.muli %add3A, %mul3A_1 : i32
    %dma_start3A = tpu.memref_slice %arg2[%mul3A_2] : memref<131072xf32, #tpu.memory_space<hbm>> -> memref<4096xf32, #tpu.memory_space<hbm>>
    %dma_start3A_3 = tpu.memref_slice %arg2[%mul3A_2] : memref<131072xf32, #tpu.memory_space<hbm>> -> memref<4096xf32, #tpu.memory_space<hbm>>
    tpu.enqueue_dma source(%dma_start3A_3 : memref<4096xf32, #tpu.memory_space<hbm>>) target(%arg4 : memref<4096xf32, #tpu.memory_space<vmem>>) target_semaphore(%arg6 : memref<!tpu.dma_semaphore, #tpu.memory_space<semaphore_mem>>)
    %dma_wait3A = tpu.memref_slice %arg2[%mul3A_2] : memref<131072xf32, #tpu.memory_space<hbm>> -> memref<4096xf32, #tpu.memory_space<hbm>>
    %dma_wait3A_4 = tpu.memref_slice %arg2[%mul3A_2] : memref<131072xf32, #tpu.memory_space<hbm>> -> memref<4096xf32, #tpu.memory_space<hbm>>
    tpu.wait_dma2 semaphore(%arg6 : memref<!tpu.dma_semaphore, #tpu.memory_space<semaphore_mem>>) src(%dma_wait3A_4 : memref<4096xf32, #tpu.memory_space<hbm>>) dst(%arg4 : memref<4096xf32, #tpu.memory_space<vmem>>)
    %parallel_loop3A = arith.constant 0 : i32
    %parallel_loop3A_5 = arith.constant 256 : i32
    %parallel_loop3A_6 = arith.constant 1 : i32
    scf.for %parallel_loop3A_13 = %parallel_loop3A to %parallel_loop3A_5 step %parallel_loop3A_6  : i32 {
      %parallel_loop3A_14 = arith.constant 16 : i32
      %parallel_loop3A_15 = arith.muli %parallel_loop3A_13, %parallel_loop3A_14 : i32
      %parallel_loop3A_16 = arith.index_cast %parallel_loop3A_15 : i32 to index
      %parallel_loop3A_17 = tpu.vector_load %arg4[%parallel_loop3A_16] {strides = array<i32>} : memref<4096xf32, #tpu.memory_space<vmem>>, vector<16xf32>,
      %parallel_loop3A_18 = vector.bitcast %parallel_loop3A_17 : vector<16xf32> to vector<16xi32>
      %parallel_loop3A_19 = arith.constant 1 : i32
      %parallel_loop3A_20 = vector.broadcast %parallel_loop3A_19 : i32 to vector<16xi32>
      %parallel_loop3A_21 = arith.shrsi %parallel_loop3A_18, %parallel_loop3A_20 : vector<16xi32>
      %parallel_loop3A_22 = arith.constant 1597463007 : i32
      %parallel_loop3A_23 = vector.broadcast %parallel_loop3A_22 : i32 to vector<16xi32>
      %parallel_loop3A_24 = arith.subi %parallel_loop3A_23, %parallel_loop3A_21 : vector<16xi32>
      %parallel_loop3A_25 = vector.bitcast %parallel_loop3A_24 : vector<16xi32> to vector<16xf32>
      %parallel_loop3A_26 = arith.constant 5.000000e-01 : f32
      %parallel_loop3A_27 = vector.broadcast %parallel_loop3A_26 : f32 to vector<16xf32>
      %parallel_loop3A_28 = arith.mulf %parallel_loop3A_27, %parallel_loop3A_17 : vector<16xf32>
      %parallel_loop3A_29 = arith.mulf %parallel_loop3A_28, %parallel_loop3A_25 : vector<16xf32>
      %parallel_loop3A_30 = arith.mulf %parallel_loop3A_29, %parallel_loop3A_25 : vector<16xf32>
      %parallel_loop3A_31 = arith.constant 1.500000e+00 : f32
      %parallel_loop3A_32 = vector.broadcast %parallel_loop3A_31 : f32 to vector<16xf32>
      %parallel_loop3A_33 = arith.subf %parallel_loop3A_32, %parallel_loop3A_30 : vector<16xf32>
      %parallel_loop3A_34 = arith.mulf %parallel_loop3A_25, %parallel_loop3A_33 : vector<16xf32>
      %parallel_loop3A_35 = arith.mulf %parallel_loop3A_28, %parallel_loop3A_34 : vector<16xf32>
      %parallel_loop3A_36 = arith.mulf %parallel_loop3A_35, %parallel_loop3A_34 : vector<16xf32>
      %parallel_loop3A_37 = arith.constant 1.500000e+00 : f32
      %parallel_loop3A_38 = vector.broadcast %parallel_loop3A_37 : f32 to vector<16xf32>
      %parallel_loop3A_39 = arith.subf %parallel_loop3A_38, %parallel_loop3A_36 : vector<16xf32>
      %parallel_loop3A_40 = arith.mulf %parallel_loop3A_34, %parallel_loop3A_39 : vector<16xf32>
      %parallel_loop3A_41 = arith.mulf %parallel_loop3A_17, %parallel_loop3A_40 : vector<16xf32>
      %parallel_loop3A_42 = arith.constant 16 : i32
      %parallel_loop3A_43 = arith.muli %parallel_loop3A_13, %parallel_loop3A_42 : i32
      %parallel_loop3A_44 = arith.index_cast %parallel_loop3A_43 : i32 to index
      %parallel_loop3A_45 = tpu.vector_load %arg4[%parallel_loop3A_44] {strides = array<i32>} : memref<4096xf32, #tpu.memory_space<vmem>>, vector<16xf32>,
      tpu.vector_store %arg4[%parallel_loop3A_44], %parallel_loop3A_41 {strides = array<i32>} : memref<4096xf32, #tpu.memory_space<vmem>>, vector<16xf32>,
    } {sc.loop_unroll_factor = 8 : i64, sc.parallel_access}
    %add3A_7 = arith.constant 0 : i32
    %add3A_8 = arith.addi %mul3A_2, %add3A_7 : i32
    %dma_start3A_9 = tpu.memref_slice %arg3[%add3A_8] : memref<131072xf32, #tpu.memory_space<hbm>> -> memref<4096xf32, #tpu.memory_space<hbm>>
    %dma_start3A_10 = tpu.memref_slice %arg3[%add3A_8] : memref<131072xf32, #tpu.memory_space<hbm>> -> memref<4096xf32, #tpu.memory_space<hbm>>
    tpu.enqueue_dma source(%arg4 : memref<4096xf32, #tpu.memory_space<vmem>>) target(%dma_start3A_10 : memref<4096xf32, #tpu.memory_space<hbm>>) target_semaphore(%arg8 : memref<!tpu.dma_semaphore, #tpu.memory_space<semaphore_mem>>)
    %dma_wait3A_11 = tpu.memref_slice %arg3[%add3A_8] : memref<131072xf32, #tpu.memory_space<hbm>> -> memref<4096xf32, #tpu.memory_space<hbm>>
    %dma_wait3A_12 = tpu.memref_slice %arg3[%add3A_8] : memref<131072xf32, #tpu.memory_space<hbm>> -> memref<4096xf32, #tpu.memory_space<hbm>>
    tpu.wait_dma2 semaphore(%arg8 : memref<!tpu.dma_semaphore, #tpu.memory_space<semaphore_mem>>) src(%arg4 : memref<4096xf32, #tpu.memory_space<vmem>>) dst(%dma_wait3A_12 : memref<4096xf32, #tpu.memory_space<hbm>>)
    return
  }
}

module attributes {stable_mosaic.version = 14 : i64} {
  func.func @_dist_pad_body(%arg0: i32, %arg1: memref<896x64xf32, #tpu.memory_space<vmem>>, %arg2: memref<1024x64xf32, #tpu.memory_space<vmem>>, %arg3: memref<1024x1024xf32, #tpu.memory_space<vmem>>) attributes {dimension_semantics = [#tpu.dimension_semantics<arbitrary>], iteration_bounds = array<i64: 1>, scalar_prefetch = 0 : i64, scratch_operands = 0 : i64, tpu.core_type = #tpu.core_type<tc>, window_params = [{transform_indices = @transform_0, window_bounds = array<i64: 896, 64>}, {pipeline_mode = #tpu.pipeline_mode<synchronous>, transform_indices = @transform_1, window_bounds = array<i64: 1024, 64>}, {pipeline_mode = #tpu.pipeline_mode<synchronous>, transform_indices = @transform_2, window_bounds = array<i64: 1024, 1024>}]} {
    %get3A = arith.constant 0 : index
    %get3A_0 = arith.constant 0 : index
    %get3A_1 = vector.load %arg1[%get3A, %get3A_0] : memref<896x64xf32, #tpu.memory_space<vmem>>, vector<896x64xf32>
    %get3A_2 = arith.constant 0 : index
    %get3A_3 = arith.constant 0 : index
    %get3A_4 = vector.load %arg2[%get3A_2, %get3A_3] : memref<1024x64xf32, #tpu.memory_space<vmem>>, vector<1024x64xf32>
    %dot_general3A = arith.constant dense<0.000000e+00> : vector<896x1024xf32>
    %dot_general3A_5 = tpu.matmul %get3A_1, %get3A_4, %dot_general3A {dimension_numbers = #tpu.dot_dimension_numbers<[1], [1], [0], [0], [0, 0, 1, 0], [], []>, transpose_lhs_hint = false} : vector<896x64xf32>, vector<1024x64xf32>, vector<896x1024xf32> -> vector<896x1024xf32>
    %mul3A = arith.mulf %get3A_1, %get3A_1 : vector<896x64xf32>
    %reduce_sum3A = arith.constant dense<0.000000e+00> : vector<896xf32>
    %reduce_sum3A_6 = vector.multi_reduction <add>, %mul3A, %reduce_sum3A [1] : vector<896x64xf32> to vector<896xf32>
    %broadcast_in_dim3A = vector.shape_cast %reduce_sum3A_6 : vector<896xf32> to vector<896x1xf32>
    %mul3A_7 = arith.mulf %get3A_4, %get3A_4 : vector<1024x64xf32>
    %reduce_sum3A_8 = arith.constant dense<0.000000e+00> : vector<1024xf32>
    %reduce_sum3A_9 = vector.multi_reduction <add>, %mul3A_7, %reduce_sum3A_8 [1] : vector<1024x64xf32> to vector<1024xf32>
    %mul3A_10 = arith.constant 2.000000e+00 : f32
    %mul3A_11 = vector.broadcast %mul3A_10 : f32 to vector<896x1024xf32>
    %mul3A_12 = arith.mulf %mul3A_11, %dot_general3A_5 : vector<896x1024xf32>
    %sub3A = vector.broadcast %broadcast_in_dim3A : vector<896x1xf32> to vector<896x1024xf32>
    %sub3A_13 = arith.subf %sub3A, %mul3A_12 : vector<896x1024xf32>
    %broadcast_in_dim3A_14 = vector.shape_cast %reduce_sum3A_9 : vector<1024xf32> to vector<1x1024xf32>
    %add3A = vector.broadcast %broadcast_in_dim3A_14 : vector<1x1024xf32> to vector<896x1024xf32>
    %add3A_15 = arith.addf %sub3A_13, %add3A : vector<896x1024xf32>
    %max3A = arith.constant 0.000000e+00 : f32
    %max3A_16 = vector.broadcast %max3A : f32 to vector<896x1024xf32>
    %max3A_17 = arith.maximumf %add3A_15, %max3A_16 : vector<896x1024xf32>
    %add3A_18 = arith.constant 9.99999996E-13 : f32
    %add3A_19 = vector.broadcast %add3A_18 : f32 to vector<896x1024xf32>
    %add3A_20 = arith.addf %max3A_17, %add3A_19 : vector<896x1024xf32>
    %sqrt3A = math.sqrt %add3A_20 : vector<896x1024xf32>
    %swap3A = arith.constant 0 : index
    %swap3A_21 = arith.constant 0 : index
    %swap3A_22 = vector.load %arg3[%swap3A, %swap3A_21] : memref<1024x1024xf32, #tpu.memory_space<vmem>>, vector<896x1024xf32>
    tpu.vector_store %arg3[%swap3A, %swap3A_21], %sqrt3A {strides = array<i32>} : memref<1024x1024xf32, #tpu.memory_space<vmem>>, vector<896x1024xf32>,
    %broadcast_in_dim3A_23 = arith.constant 0.000000e+00 : f32
    %broadcast_in_dim3A_24 = vector.broadcast %broadcast_in_dim3A_23 : f32 to vector<128x1024xf32>
    %swap3A_25 = arith.constant 896 : index
    %swap3A_26 = arith.constant 0 : index
    %swap3A_27 = vector.load %arg3[%swap3A_25, %swap3A_26] : memref<1024x1024xf32, #tpu.memory_space<vmem>>, vector<128x1024xf32>
    tpu.vector_store %arg3[%swap3A_25, %swap3A_26], %broadcast_in_dim3A_24 {strides = array<i32>} : memref<1024x1024xf32, #tpu.memory_space<vmem>>, vector<128x1024xf32>,
    return
  }
  func.func @transform_0(%arg0: i32) -> (i32, i32) {
    %c0_i32 = arith.constant 0 : i32
    %c0_i32_0 = arith.constant 0 : i32
    %c0_i32_1 = arith.constant 0 : i32
    return %c0_i32, %c0_i32_0 : i32, i32
  }
  func.func @transform_1(%arg0: i32) -> (i32, i32) {
    %c0_i32 = arith.constant 0 : i32
    %c0_i32_0 = arith.constant 0 : i32
    %c0_i32_1 = arith.constant 0 : i32
    return %c0_i32, %c0_i32_0 : i32, i32
  }
  func.func @transform_2(%arg0: i32) -> (i32, i32) {
    %c0_i32 = arith.constant 0 : i32
    %c0_i32_0 = arith.constant 0 : i32
    %c0_i32_1 = arith.constant 0 : i32
    return %c0_i32, %c0_i32_0 : i32, i32
  }
}

module attributes {stable_mosaic.version = 14 : i64} {
  func.func @_sqdist_body(%arg0: i32, %arg1: memref<128x64xf32, #tpu.memory_space<vmem>>, %arg2: memref<1024x64xf32, #tpu.memory_space<vmem>>, %arg3: memref<128x1024xf32, #tpu.memory_space<vmem>>) attributes {dimension_semantics = [#tpu.dimension_semantics<arbitrary>], iteration_bounds = array<i64: 1>, scalar_prefetch = 0 : i64, scratch_operands = 0 : i64, tpu.core_type = #tpu.core_type<tc>, window_params = [{transform_indices = @transform_0, window_bounds = array<i64: 128, 64>}, {pipeline_mode = #tpu.pipeline_mode<synchronous>, transform_indices = @transform_1, window_bounds = array<i64: 1024, 64>}, {pipeline_mode = #tpu.pipeline_mode<synchronous>, transform_indices = @transform_2, window_bounds = array<i64: 128, 1024>}]} {
    %get3A = arith.constant 0 : index
    %get3A_0 = arith.constant 0 : index
    %get3A_1 = vector.load %arg1[%get3A, %get3A_0] : memref<128x64xf32, #tpu.memory_space<vmem>>, vector<128x64xf32>
    %get3A_2 = arith.constant 0 : index
    %get3A_3 = arith.constant 0 : index
    %get3A_4 = vector.load %arg2[%get3A_2, %get3A_3] : memref<1024x64xf32, #tpu.memory_space<vmem>>, vector<1024x64xf32>
    %dot_general3A = arith.constant dense<0.000000e+00> : vector<128x1024xf32>
    %dot_general3A_5 = tpu.matmul %get3A_1, %get3A_4, %dot_general3A {dimension_numbers = #tpu.dot_dimension_numbers<[1], [1], [0], [0], [0, 0, 1, 0], [], []>, transpose_lhs_hint = false} : vector<128x64xf32>, vector<1024x64xf32>, vector<128x1024xf32> -> vector<128x1024xf32>
    %mul3A = arith.mulf %get3A_1, %get3A_1 : vector<128x64xf32>
    %reduce_sum3A = arith.constant dense<0.000000e+00> : vector<128xf32>
    %reduce_sum3A_6 = vector.multi_reduction <add>, %mul3A, %reduce_sum3A [1] : vector<128x64xf32> to vector<128xf32>
    %broadcast_in_dim3A = vector.shape_cast %reduce_sum3A_6 : vector<128xf32> to vector<128x1xf32>
    %mul3A_7 = arith.mulf %get3A_4, %get3A_4 : vector<1024x64xf32>
    %reduce_sum3A_8 = arith.constant dense<0.000000e+00> : vector<1024xf32>
    %reduce_sum3A_9 = vector.multi_reduction <add>, %mul3A_7, %reduce_sum3A_8 [1] : vector<1024x64xf32> to vector<1024xf32>
    %mul3A_10 = arith.constant 2.000000e+00 : f32
    %mul3A_11 = vector.broadcast %mul3A_10 : f32 to vector<128x1024xf32>
    %mul3A_12 = arith.mulf %mul3A_11, %dot_general3A_5 : vector<128x1024xf32>
    %sub3A = vector.broadcast %broadcast_in_dim3A : vector<128x1xf32> to vector<128x1024xf32>
    %sub3A_13 = arith.subf %sub3A, %mul3A_12 : vector<128x1024xf32>
    %broadcast_in_dim3A_14 = vector.shape_cast %reduce_sum3A_9 : vector<1024xf32> to vector<1x1024xf32>
    %add3A = vector.broadcast %broadcast_in_dim3A_14 : vector<1x1024xf32> to vector<128x1024xf32>
    %add3A_15 = arith.addf %sub3A_13, %add3A : vector<128x1024xf32>
    %max3A = arith.constant 0.000000e+00 : f32
    %max3A_16 = vector.broadcast %max3A : f32 to vector<128x1024xf32>
    %max3A_17 = arith.maximumf %add3A_15, %max3A_16 : vector<128x1024xf32>
    %add3A_18 = arith.constant 9.99999996E-13 : f32
    %add3A_19 = vector.broadcast %add3A_18 : f32 to vector<128x1024xf32>
    %add3A_20 = arith.addf %max3A_17, %add3A_19 : vector<128x1024xf32>
    %swap3A = arith.constant 0 : index
    %swap3A_21 = arith.constant 0 : index
    %swap3A_22 = vector.load %arg3[%swap3A, %swap3A_21] : memref<128x1024xf32, #tpu.memory_space<vmem>>, vector<128x1024xf32>
    tpu.vector_store %arg3[%swap3A, %swap3A_21], %add3A_20 {strides = array<i32>} : memref<128x1024xf32, #tpu.memory_space<vmem>>, vector<128x1024xf32>,
    return
  }
  func.func @transform_0(%arg0: i32) -> (i32, i32) {
    %c7_i32 = arith.constant 7 : i32
    %c0_i32 = arith.constant 0 : i32
    %c0_i32_0 = arith.constant 0 : i32
    return %c7_i32, %c0_i32 : i32, i32
  }
  func.func @transform_1(%arg0: i32) -> (i32, i32) {
    %c0_i32 = arith.constant 0 : i32
    %c0_i32_0 = arith.constant 0 : i32
    %c0_i32_1 = arith.constant 0 : i32
    return %c0_i32, %c0_i32_0 : i32, i32
  }
  func.func @transform_2(%arg0: i32) -> (i32, i32) {
    %c0_i32 = arith.constant 0 : i32
    %c0_i32_0 = arith.constant 0 : i32
    %c0_i32_1 = arith.constant 0 : i32
    return %c0_i32, %c0_i32_0 : i32, i32
  }
}

</mosaic_0001>

<sc_bundles>
// kernel: kernel.5.cloned.1.call-start
scs
__scs_entry_jumppad:
0x0: {  	(pc) =	sbr.rel $0x88, $3  }
0x1: {  	(tag) =	ssettag $0x0;
	lr =	simm.s32 $0x1  }
0x2: {  	[smem:$0x3F9F] =	sst lr;
	_ =	strace $0xD0000000  }
0x3: {  	_ = 	snop  }
0x4: {  	_ = 	snop  }
0x5: {  	_ = 	snop  }
0x6: {  	_ = 	snop  }
0x7: {  	_ = 	snop  }
__scs_overlays_trampoline_lowered:
0x8: {  	[smem:$0x3FAE] =	sst s0  }
0x9: {  	[smem:$0x3FAF] =	sst s1  }
0xa: {  	[smem:$0x3FB0] =	sst s2  }
0xb: {  	[smem:$0x3FB1] =	sst s3  }
0xc: {  	[smem:$0x3FB2] =	sst s4  }
0xd: {  	[smem:$0x3FB3] =	sst s5  }
0xe: {  	[smem:$0x3FB4] =	sst s6  }
0xf: {  	[smem:$0x3FB5] =	sst s7  }
0x10: {  	[smem:$0x3FB6] =	sst s8  }
0x11: {  	[smem:$0x3FB7] =	sst s9;
	s0 =	simm.s32 @!p0 $0x0  }
0x12: {  	s1 =	sld [smem:$0x3F9D];
	s0 =	simm.s32 @p0 $0x1  }
0x13: {  	[smem:$0x3FB8] =	sst s0;
	s0 =	simm.s32 @!p1 $0x0  }
0x14: {  	s2 =	sld [smem:$0x3F9C];
	s0 =	simm.s32 @p1 $0x1  }
0x15: {  	[smem:$0x3FB9] =	sst s0;
	s0 =	simm.s32 @!p2 $0x0  }
0x16: {  	s3 =	sld [smem:$0x3FDB];
	s0 =	simm.s32 @p2 $0x1  }
0x17: {  	s4 =	simm.s32 $0x1BF5;
	[smem:$0x3FBB] =	sst s0  }
0x18: {  	s0 =	sld [smem:$0x3F9E];
	_ =	swait.ge [sflag:s4], $0x0  }
0x19: {  	s7 =	sld [smem:$0x3F9F]  }
0x1a: {  	s8 =	sadd.s32 $0xFFFFE003, lr  }
0x1b: {  	s9 =	sadd.s32 $0xFFFFFEF7, lr;
	s5 =	simm.s32 $0xFFFFFFFF;
	p2 =	slt.u32 s8, $0xFFFFF086  }
0x1c: {  	p1 =	slt.u32 s9, $0xF7A;
	s5 =	simm.s32 @!p2 $0x0  }
0x1d: {  	s5 =	simm.s32 @p1 $0x1;
	p0 =	seq.s32 s7, s2  }
0x1e: {  	s7 =	smul.u32 @!p0 $0xF7A, s2;
	p2 =	seq.s32 @!p0 s5, $0x0  }
0x1f: {  	s9 =	smul.u32 $0xF7A, s1;
	s8 =	simm.s32 @!p0 $0x1BF5;
	p2 =	por !p2, p0  }
0x20: {  	[sflag:s8] =	ssyncset.s32 @!p0 $0xFFFFF086;
	s6 =	sadd.s32 @!p0 s3, s7;
	s7 =	simm.s32 @!p0 $0x108  }
0x21: {  	s3 =	sadd.s32 s3, s9;
	s6 =	sadd.s32 @!p0 $0x88, s6;
	s7 =	simm.s32 @p2 $0x1082  }
0x22: {  	[simem:s7], [sflag:s8] =	dma.local @!p0 [hbm:s6], $0xF7A  }
0x23: {  	s9 =	sor.u32 $0xD0000000, s2;
	s6 =	simm.s32 $0x108;
	_ =	swait.ge @!p0 [sflag:s8], $0x0  }
0x24: {  	s3 =	sadd.s32 $0x88, s3;
	s6 =	simm.s32 @!p1 $0x1082;
	[sflag:s4] =	ssyncset.s32 $0xFFFFF086  }
0x25: {  	[simem:s6], [sflag:s4] =	dma.local [hbm:s3], $0xF7A  }
0x26: {  	[smem:$0x3F9F] =	sst s1;
	(tag) =	ssettag s2;
	_ =	strace s9  }
0x27: {  	s1 =	sld [smem:$0x3FAF]  }
0x28: {  	s2 =	sld [smem:$0x3FB0]  }
0x29: {  	s4 =	sld [smem:$0x3FB2]  }
0x2a: {  	p0 =	seq.s32 s5, $0x0;
	s5 =	sld [smem:$0x3FB3]  }
0x2b: {  	s6 =	sld [smem:$0x3FB4]  }
0x2c: {  	s7 =	sld [smem:$0x3FB5]  }
0x2d: {  	s3 =	simm.s32 $0x108;
	s8 =	sld [smem:$0x3FB6]  }
0x2e: {  	s3 =	simm.s32 @!p0 $0x1082;
	s9 =	sld [smem:$0x3FB7]  }
0x2f: {  	lr =	sadd.s32 s0, s3;
	s0 =	sld [smem:$0x3FAE]  }
0x30: {  	s3 =	sld [smem:$0x3FB1]  }
0x31: {  	[smem:$0x3FBA] =	sst s10  }
0x32: {  	s10 =	sld [smem:$0x3FB8];
	_ =	sdelay $0x3  }
0x33: {  	p0 =	seq.s32 s10, $0x1;
	s10 =	sld [smem:$0x3FBA];
	_ =	sdelay $0x3  }
0x34: {  	[smem:$0x3FBA] =	sst s10  }
0x35: {  	s10 =	sld [smem:$0x3FB9];
	_ =	sdelay $0x3  }
0x36: {  	p1 =	seq.s32 s10, $0x1;
	s10 =	sld [smem:$0x3FBA];
	_ =	sdelay $0x3  }
0x37: {  	[smem:$0x3FBA] =	sst s10  }
0x38: {  	s10 =	sld [smem:$0x3FBB]  }
0x39: {  	_ = 	snop;
	(pc) =	sbr.ind lr, $3  }
0x3a: {  	_ = 	snop  }
0x3b: {  	_ = 	snop  }
0x3c: {  	p2 =	seq.s32 s10, $0x1;
	s10 =	sld [smem:$0x3FBA]  }
0x3d: {  	_ =	shalt  }
0x3e: {  	_ =	shalt  }
0x3f: {  	_ =	shalt  }
0x40: {  	_ =	shalt  }
0x41: {  	_ =	shalt  }
0x42: {  	_ =	shalt  }
0x43: {  	_ =	shalt  }
0x44: {  	_ =	shalt  }
0x45: {  	_ =	shalt  }
0x46: {  	_ =	shalt  }
0x47: {  	_ =	shalt  }
0x48: {  	_ =	shalt  }
0x49: {  	_ =	shalt  }
0x4a: {  	_ =	shalt  }
0x4b: {  	_ =	shalt  }
0x4c: {  	_ =	shalt  }
0x4d: {  	_ =	shalt  }
0x4e: {  	_ =	shalt  }
0x4f: {  	_ =	shalt  }
0x50: {  	_ =	shalt  }
0x51: {  	_ =	shalt  }
0x52: {  	_ =	shalt  }
0x53: {  	_ =	shalt  }
0x54: {  	_ =	shalt  }
0x55: {  	_ =	shalt  }
0x56: {  	_ =	shalt  }
0x57: {  	_ =	shalt  }
0x58: {  	_ =	shalt  }
0x59: {  	_ =	shalt  }
0x5a: {  	_ =	shalt  }
0x5b: {  	_ =	shalt  }
0x5c: {  	_ =	shalt  }
0x5d: {  	_ =	shalt  }
0x5e: {  	_ =	shalt  }
0x5f: {  	_ =	shalt  }
0x60: {  	_ =	shalt  }
0x61: {  	_ =	shalt  }
0x62: {  	_ =	shalt  }
0x63: {  	_ =	shalt  }
0x64: {  	_ =	shalt  }
0x65: {  	_ =	shalt  }
0x66: {  	_ =	shalt  }
0x67: {  	_ =	shalt  }
0x68: {  	_ =	shalt  }
0x69: {  	_ =	shalt  }
0x6a: {  	_ =	shalt  }
0x6b: {  	_ =	shalt  }
0x6c: {  	_ =	shalt  }
0x6d: {  	_ =	shalt  }
0x6e: {  	_ =	shalt  }
0x6f: {  	_ =	shalt  }
0x70: {  	_ =	shalt  }
0x71: {  	_ =	shalt  }
0x72: {  	_ =	shalt  }
0x73: {  	_ =	shalt  }
0x74: {  	_ =	shalt  }
0x75: {  	_ =	shalt  }
0x76: {  	_ =	shalt  }
0x77: {  	_ =	shalt  }
0x78: {  	_ =	shalt  }
0x79: {  	_ =	shalt  }
0x7a: {  	_ =	shalt  }
0x7b: {  	_ =	shalt  }
0x7c: {  	_ =	shalt  }
0x7d: {  	_ =	shalt  }
0x7e: {  	_ =	shalt  }
0x7f: {  	_ =	shalt  }
0x80: {  	_ =	shalt  }
0x81: {  	_ =	shalt  }
0x82: {  	_ =	shalt  }
0x83: {  	_ =	shalt  }
0x84: {  	_ =	shalt  }
0x85: {  	_ =	shalt  }
0x86: {  	_ =	shalt  }
0x87: {  	_ =	shalt  }
.Lfunc_end0:
.L_simem_size_0:
called_computation_lowered:
.L_overlay_start_0:
0x88: {  	s2 =	sld [smem:$0x3FD9]  }
0x89: {  	s3 =	sld [smem:$0x3FFE];
	_ =	sdelay $0x1  }
0x8a: {  	s1 =	srdreg.scid  }
0x8b: {  	s0 =	sand.u32 $0x1, s1  }
0x8c: {  	s16 =	sshll.u32 s0, $0xA;
	s2 =	sadd.s32 s3, s2  }
0x8d: {  	s2 =	sadd.s32 s2, s16  }
0x8e: {  	[smem:$0x3FC6] =	sst s2  }
0x8f: {  	_ = 	snop  }
0x90: {  	(tm) =	ssettm $0x1  }
0x91: {  	s17 =	sld [smem:$0x3FFB];
	_ =	sdelay $0x3  }
0x92: {  	_ =	strace s17  }
0x93: {  	s2 =	sld [smem:$0x3FFC];
	_ =	sdelay $0x3  }
0x94: {  	_ =	strace s2  }
0x95: {  	s2 =	sld [smem:$0x3FFD];
	_ =	sdelay $0x3  }
0x96: {  	_ =	strace s2  }
0x97: {  	_ =	strace $0x8FFFFFFF  }
0x98: {  	s18 =	sld [smem:$0x3FDB];
	_ =	sdelay $0x1  }
0x99: {  	s19 =	simm.s32 $_scs_section_size  }
0x9a: {  	s4 =	simm.s32 $_size__tile_overlayer_lowered;
	s5 =	simm.s32 $_tile_overlayer_lowered  }
0x9b: {  	s22 =	simm.s32 $0x1BFF;
	s21 =	sshll.u32 s5, $0x1;
	s2 =	sadd.s32 s19, s18  }
0x9c: {  	s6 =	simm.s32 $0x0;
	s20 =	sshll.u32 s4, $0x1;
	s4 =	sadd.s32 s21, s2  }
0x9d: {  	[timem:s6], [sflag:s22] =	dma.local [hbm:s4], s20  }
0x9e: {  	_ =	swait.ge [sflag:s22], s20  }
0x9f: {  	s3 =	ssub.s32 $0x0, s20;
	[sflag:s22] =	ssyncset.done $0x0  }
0xa0: {  	[sflag:s22] =	ssyncadd.s32 s3;
	_ =	sdelay $0x1  }
0xa1: {  	s23 =	simm.s32 $0x1B8B  }
0xa2: {  	_ =	swait.ge [sflag:s23], $0x1  }
0xa3: {  	[sflag:s23] =	ssyncset.done $0x0  }
0xa4: {  	s25 =	simm.s32 $0x1B8E;
	s24 =	sld [smem:$0x3FFE];
	[sflag:s23] =	ssyncadd.s32 $0xFFFFFFFF  }
0xa5: {  	s26 =	simm.s32 $execute0_lowered;
	[smem:$0x3FD2] =	sst s25  }
0xa6: {  	s4 =	sshll.u32 s26, $0x1;
	_ =	strace $0x80000046;
	[dreg:$0x1] =	wrdreg $0xFFFFFFFF  }
0xa7: {  	s28 =	simm.s32 $_size_execute0_lowered;
	s2 =	sadd.s32 s2, s4;
	[dreg:$0x0] =	wrdreg $0x0  }
0xa8: {  	s4 =	sshll.u32 s28, $0x1;
	[dreg:$0x2] =	wrdreg s2  }
0xa9: {  	[dreg:$0x3] =	wrdreg s4  }
0xaa: {  	[dreg:$0x4] =	wrdreg $0xC0  }
0xab: {  	_ =	task [dreg:s6], $0x5FFFF  }
0xac: {  	[dreg:$0x1] =	wrdreg $0xFFFFFFFF  }
0xad: {  	[dreg:$0x0] =	wrdreg $0x60  }
0xae: {  	[dreg:$0x2] =	wrdreg s24  }
0xaf: {  	[dreg:$0x3] =	wrdreg $0x9  }
0xb0: {  	_ =	task.clear_ibuf [dreg:s6], $0x4FFFF;
	_ =	strace $0x90000046  }
0xb1: {  	s29 =	simm.s32 $0x9;
	_ =	strace $0x80000048  }
0xb2: {  	_ =	swait.ge [sflag:s29], $0x1  }
0xb3: {  	[sflag:s29] =	ssyncadd.s32 $0xFFFFFFFF  }
0xb4: {  	_ =	strace $0x90000048  }
0xb5: {  	_ =	sfence  }
0xb6: {  	s30 =	sld [smem:$0x0];
	_ =	sdelay $0x2  }
0xb7: {  	s31 =	sshll.u32 s1, $0xD;
	s1 =	sshrl.u32 s1, $0x2  }
0xb8: {  	s3 =	sand.u32 $0x4000, s31;
	s1 =	sadd.s32 s1, s30  }
0xb9: {  	s0 =	sor.u32 s3, s0;
	s1 =	sshll.u32 s1, $0x11  }
0xba: {  	s0 =	sor.u32 s1, s0  }
0xbb: {  	s0 =	sadd.s32 $0x8F2B, s0  }
0xbc: {  	[sflag:s0] =	ssyncadd.remote.s32 $0x1  }
0xbd: {  	_ =	sfence.sel $0xFFFF  }
0xbe: {  	[dreg:$0x0] =	wrdreg $0xFFFFFFFF;
	(pc) =	sbr.abs _section_cstart, $3  }
0xbf: {  	[dreg:$0x1] =	wrdreg $0xFFFFFFFF  }
0xc0: {  	_ =	task.clear_ibuf [dreg:s6], $0x2FFFF;
	_ =	strace $0x9FFFFFFF  }
0xc1: {  	(tm) =	ssettm $0x7FFFFFFF  }
tec
execute0_lowered:
.L_overlay_start_1:
0x0: {  	(tag) =	ssettag $0x1  }
0x1: {  	s3 =	rddreg [dreg:$0x0]  }
0x2: {  	s0 =	rddreg [dreg:$0x1];
	s4 =	srdreg.scid  }
0x3: {  	s2 =	simm.s32 $0x0;
	s1 =	stileid.u32;
	s4 =	sand.u32 $0x1, s4  }
0x4: {  	s7 =	simm.s32 $0x2;
	s5 =	sshll.u32 s1, $0xA;
	s6 =	sshll.u32 s4, $0x9  }
0x5: {  	s8 =	simm.s32 $0x0;
	s4 =	ssub.s32 $0x2, s4;
	s5 =	sor.u32 s6, s5  }
0x6: {  	[smem:$0x7FF] =	sst s2;
	s31 =	sshrl.u32 s4, $0x1;
	s5 =	sadd.s32 s5, s3  }
0x7: {  	_ =	strace $0x80000047;
	s6 =	ssub.s32 s4, s31;
	s3 =	sadd.s32 $0x400, s5  }
0x8: {  	s4 =	sadd.s32 $0x4400, s5;
	s5 =	smax.u32 s6, $0x1;
	s6 =	simm.s32 $0x1  }
.LBB2_1:
0x9: {  	[tilespmem:s2], [sflag:$0x1] =	stream.linear.gather [hbm4b:s3+s2], $0x1000, $0x38;
	[tilespmem:$0x1000] =	vst v63  }
0xa: {  	_ =	swait.ge [sflag:s6], $0x1000  }
0xb: {  	[sflag:s6] =	ssyncset.done $0x0  }
0xc: {  	s9 =	simm.s32 $0x40;
	[sflag:s6] =	ssyncadd.s32 $0xFFFFF000  }
0xd: {  	v0 =	vld [tilespmem:s9+$0x20];
	_ =	sdelay $0x1  }
0xe: {  	v19 =	vld [tilespmem:s9+$0x10];
	_ =	sdelay $0x2  }
0xf: {  	v1 =	vshra.s32 v0, $0x1;
	v5 =	vmul.f32 $5.000000000e-01, v0  }
0x10: {  	v3 =	vsub.s32 $0x5F3759DF, v1  }
0x11: {  	v2 =	vshra.s32 v19, $0x1;
	v6 =	vmul.f32 $5.000000000e-01, v19;
	v1 =	vmul.f32 v3, v5  }
0x12: {  	v2 =	vsub.s32 $0x5F3759DF, v2  }
0x13: {  	v7 =	vmul.f32 v2, v6;
	v1 =	vmul.f32 v3, v1;
	_ =	sdelay $0x1  }
0x14: {  	v7 =	vmul.f32 v2, v7;
	v8 =	vsub.f32 $1.500000000e+00, v1  }
0x15: {  	v38 =	vld [tilespmem:s9+$0x30]  }
0x16: {  	v7 =	vsub.f32 $1.500000000e+00, v7;
	v1 =	vld [tilespmem:s9+$0xFFFFFFD0];
	v8 =	vmul.f32 v3, v8;
	_ =	sdelay $0x1  }
0x17: {  	v7 =	vmul.f32 v2, v7;
	v2 =	vld [tilespmem:s9+$0x0];
	v5 =	vmul.f32 v8, v5;
	_ =	sdelay $0x1  }
0x18: {  	v3 =	vld [tilespmem:s9+$0xFFFFFFF0];
	v6 =	vmul.f32 v7, v6;
	v5 =	vmul.f32 v5, v8  }
0x19: {  	v16 =	vmul.f32 $5.000000000e-01, v38;
	v17 =	vshra.s32 v38, $0x1;
	v9 =	vshra.s32 v1, $0x1  }
0x1a: {  	[tilespmem:$0x1FFB0] =	vst v1;
	v10 =	vmul.f32 $5.000000000e-01, v1;
	v11 =	vmul.f32 v6, v7;
	v13 =	vsub.f32 $1.500000000e+00, v5  }
0x1b: {  	v27 =	vld [tilespmem:s9+$0xFFFFFFC0];
	v9 =	vsub.s32 $0x5F3759DF, v9;
	v14 =	vshra.s32 v2, $0x1;
	v43 =	vmul.f32 $5.000000000e-01, v2  }
0x1c: {  	s10 =	simm.s32 $0xC0;
	v5 =	vld [tilespmem:s9+$0xFFFFFFE0];
	v11 =	vsub.f32 $1.500000000e+00, v11;
	v24 =	vsub.s32 $0x5F3759DF, v14;
	v8 =	vmul.f32 v13, v8  }
0x1d: {  	v17 =	vsub.s32 $0x5F3759DF, v17;
	v15 =	vmul.f32 v9, v10;
	v26 =	vmul.f32 v24, v43;
	v13 =	vld [tilespmem:s10+$0x10];
	[tilespmem:$0x1FFC0] =	vst v3  }
0x1e: {  	v12 =	vshra.s32 v3, $0x1;
	v7 =	vmul.f32 v11, v7;
	v11 =	vld [tilespmem:s10+$0x20];
	v0 =	vmul.f32 v8, v0  }
0x1f: {  	v20 =	vmul.f32 $5.000000000e-01, v3;
	v18 =	vsub.s32 $0x5F3759DF, v12;
	v12 =	vmul.f32 v17, v16  }
0x20: {  	v39 =	vmul.f32 v24, v26;
	[tilespmem:$0x1FFE0] =	vst v0;
	v0 =	vmul.f32 v7, v19  }
0x21: {  	v4 =	vmovc v27;
	v8 =	vshra.s32 v27, $0x1;
	v27 =	vmul.f32 $5.000000000e-01, v27;
	v49 =	vmul.f32 $5.000000000e-01, v5  }
0x22: {  	v28 =	vsub.s32 $0x5F3759DF, v8;
	v7 =	vmul.f32 v17, v12;
	[tilespmem:$0x1FFF0] =	vst v0;
	v0 =	vmul.f32 v18, v20  }
0x23: {  	v12 =	vmul.f32 v9, v15;
	v19 =	vmul.f32 $5.000000000e-01, v13;
	v1 =	vshra.s32 v11, $0x1  }
0x24: {  	v21 =	vmul.f32 $5.000000000e-01, v11;
	v14 =	vmul.f32 v18, v0;
	v0 =	vshra.s32 v13, $0x1  }
0x25: {  	v7 =	vsub.f32 $1.500000000e+00, v7;
	v22 =	vsub.s32 $0x5F3759DF, v1;
	v15 =	vsub.s32 $0x5F3759DF, v0;
	v0 =	vld [tilespmem:s10+$0xFFFFFFD0]  }
0x26: {  	v30 =	vmul.f32 v28, v27;
	v23 =	vmul.f32 v22, v21  }
0x27: {  	v44 =	vmul.f32 v17, v7;
	v25 =	vmul.f32 v15, v19  }
0x28: {  	v12 =	vsub.f32 $1.500000000e+00, v12;
	v26 =	vmul.f32 v28, v30;
	v23 =	vmul.f32 v22, v23  }
0x29: {  	v1 =	vshra.s32 v5, $0x1;
	v8 =	vld [tilespmem:s10+$0x30];
	v16 =	vmul.f32 v44, v16;
	v25 =	vmul.f32 v15, v25  }
0x2a: {  	v29 =	vsub.s32 $0x5F3759DF, v1;
	v12 =	vmul.f32 v9, v12;
	v23 =	vsub.f32 $1.500000000e+00, v23;
	[tilespmem:$0x1FFD0] =	vst v0  }
0x2b: {  	v32 =	vmul.f32 v29, v49;
	v30 =	vmul.f32 v16, v44;
	v25 =	vsub.f32 $1.500000000e+00, v25;
	v9 =	vld [tilespmem:s10+$0xFFFFFFF0]  }
0x2c: {  	s11 =	simm.s32 $0x140;
	v34 =	vshra.s32 v0, $0x1;
	v36 =	vmul.f32 $5.000000000e-01, v0;
	v22 =	vmul.f32 v22, v23;
	v0 =	vld [tilespmem:s10+$0x0]  }
0x2d: {  	v35 =	vmul.f32 v12, v10;
	v30 =	vsub.f32 $1.500000000e+00, v30;
	v50 =	vld [tilespmem:s11+$0x20];
	v15 =	vmul.f32 v15, v25  }
0x2e: {  	v41 =	vmul.f32 $5.000000000e-01, v8;
	v51 =	vld [tilespmem:s11+$0x10];
	v10 =	vmul.f32 v22, v21  }
0x2f: {  	v34 =	vsub.s32 $0x5F3759DF, v34;
	v44 =	vmul.f32 v30, v44;
	v19 =	vmul.f32 v15, v19  }
0x30: {  	v14 =	vsub.f32 $1.500000000e+00, v14;
	v25 =	vmul.f32 v34, v36;
	v10 =	vmul.f32 v10, v22  }
0x31: {  	v39 =	vsub.f32 $1.500000000e+00, v39;
	v44 =	vmul.f32 v44, v38;
	v21 =	vmul.f32 v19, v15  }
0x32: {  	v19 =	vmul.f32 v18, v14;
	v14 =	vsub.f32 $1.500000000e+00, v10;
	v45 =	vmul.f32 $5.000000000e-01, v9  }
0x33: {  	v23 =	vshra.s32 v0, $0x1;
	v10 =	vld [tilespmem:s10+$0xFFFFFFE0];
	v57 =	vmul.f32 $5.000000000e-01, v50;
	v58 =	vmul.f32 $5.000000000e-01, v51  }
0x34: {  	v18 =	vsub.f32 $1.500000000e+00, v21;
	v21 =	vshra.s32 v8, $0x1;
	v14 =	vmul.f32 v14, v22  }
0x35: {  	v46 =	vsub.s32 $0x5F3759DF, v21;
	v21 =	vsub.s32 $0x5F3759DF, v23;
	v23 =	vmul.f32 v35, v12  }
0x36: {  	v7 =	vld [tilespmem:s10+$0xFFFFFFC0];
	v17 =	vshra.s32 v9, $0x1;
	v15 =	vmul.f32 v18, v15;
	v22 =	vmul.f32 v46, v41  }
0x37: {  	v47 =	vsub.s32 $0x5F3759DF, v17;
	v18 =	vmul.f32 v29, v32;
	v48 =	vmul.f32 v14, v11  }
0x38: {  	v11 =	vmul.f32 v47, v45;
	v14 =	vmul.f32 v19, v20;
	v17 =	vshra.s32 v10, $0x1  }
0x39: {  	v20 =	vmul.f32 $5.000000000e-01, v10;
	v1 =	vmul.f32 v15, v13;
	v13 =	vsub.f32 $1.500000000e+00, v18  }
0x3a: {  	v18 =	vmul.f32 $5.000000000e-01, v0;
	v15 =	vmul.f32 v46, v22;
	v52 =	vsub.s32 $0x5F3759DF, v17  }
0x3b: {  	v16 =	vshra.s32 v7, $0x1;
	v56 =	vmul.f32 v14, v19;
	v61 =	vmul.f32 v52, v20  }
0x3c: {  	v22 =	vmul.f32 v29, v13;
	v13 =	vsub.f32 $1.500000000e+00, v26;
	v29 =	vmul.f32 v47, v11  }
0x3d: {  	v14 =	vshra.s32 v50, $0x1;
	v11 =	vmul.f32 v34, v25;
	v40 =	vmul.f32 v21, v18  }
0x3e: {  	v26 =	vsub.s32 $0x5F3759DF, v16;
	v25 =	vmul.f32 $5.000000000e-01, v7;
	v53 =	vmul.f32 v28, v13  }
0x3f: {  	v54 =	vsub.f32 $1.500000000e+00, v15;
	v15 =	vshra.s32 v51, $0x1;
	v13 =	vsub.f32 $1.500000000e+00, v11  }
0x40: {  	v11 =	vld [tilespmem:s11+$0xFFFFFFD0];
	v55 =	vmul.f32 v26, v25;
	v28 =	vsub.s32 $0x5F3759DF, v14;
	v59 =	vmul.f32 v53, v27  }
0x41: {  	v27 =	vsub.s32 $0x5F3759DF, v15;
	v15 =	vmul.f32 v28, v57;
	v17 =	vmul.f32 v34, v13  }
0x42: {  	v13 =	vld [tilespmem:s11+$0xFFFFFFF0];
	v34 =	vmul.f32 v21, v40;
	v40 =	vmul.f32 v24, v39  }
0x43: {  	v14 =	vld [tilespmem:s11+$0x30];
	v60 =	vsub.f32 $1.500000000e+00, v29;
	v29 =	vmul.f32 v27, v58;
	v37 =	vmul.f32 v28, v15  }
0x44: {  	v62 =	vmul.f32 v17, v36;
	v43 =	vmul.f32 v40, v43  }
0x45: {  	v42 =	vshra.s32 v11, $0x1;
	v32 =	vmul.f32 $5.000000000e-01, v11;
	v29 =	vmul.f32 v27, v29  }
0x46: {  	v16 =	vld [tilespmem:s11+$0x0];
	v35 =	vsub.s32 $0x5F3759DF, v42;
	v36 =	vsub.f32 $1.500000000e+00, v37;
	v43 =	vmul.f32 v43, v40  }
0x47: {  	v42 =	vmul.f32 v35, v32;
	v29 =	vsub.f32 $1.500000000e+00, v29;
	v30 =	vmul.f32 $5.000000000e-01, v13  }
0x48: {  	v15 =	vld [tilespmem:s11+$0xFFFFFFC0];
	v31 =	vmul.f32 v28, v36;
	v28 =	vmul.f32 $5.000000000e-01, v14  }
0x49: {  	v63 =	vshra.s32 v13, $0x1;
	v33 =	vmul.f32 v27, v29;
	v29 =	vmul.f32 v46, v54  }
0x4a: {  	v6 =	vmovc v5;
	v5 =	vmovc v0;
	v0 =	vld [tilespmem:$0x1FFE0];
	v38 =	vsub.s32 $0x5F3759DF, v63;
	v36 =	vmul.f32 v31, v57;
	v57 =	vmul.f32 v26, v55  }
0x4b: {  	v24 =	vshra.s32 v16, $0x1;
	v55 =	vmul.f32 v52, v61;
	v61 =	vmul.f32 v38, v30  }
0x4c: {  	v24 =	vsub.s32 $0x5F3759DF, v24;
	v39 =	vmul.f32 v33, v58;
	v46 =	vmul.f32 v29, v41  }
0x4d: {  	v37 =	vshra.s32 v15, $0x1;
	v41 =	vmul.f32 v47, v60;
	v54 =	vmul.f32 v36, v31  }
0x4e: {  	v27 =	vld [tilespmem:s11+$0xFFFFFFE0];
	v58 =	vshra.s32 v14, $0x1;
	v63 =	vsub.f32 $1.500000000e+00, v55;
	v60 =	vmul.f32 v39, v33  }
0x4f: {  	[tilespmem:s9+$0x20] =	vst v0;
	v36 =	vmul.f32 v46, v29;
	v39 =	vsub.s32 $0x5F3759DF, v58;
	v54 =	vsub.f32 $1.500000000e+00, v54  }
0x50: {  	v0 =	vld [tilespmem:$0x1FFF0];
	v55 =	vmul.f32 v41, v45;
	v58 =	vsub.f32 $1.500000000e+00, v60;
	v60 =	vmul.f32 v59, v53  }
0x51: {  	[tilespmem:s10+$0x20] =	vst v48;
	v48 =	vsub.f32 $1.500000000e+00, v57;
	v47 =	vmul.f32 v39, v28;
	v46 =	vmul.f32 v54, v31  }
0x52: {  	v33 =	vmul.f32 v58, v33;
	v54 =	vsub.f32 $1.500000000e+00, v60;
	v60 =	vmul.f32 v22, v49  }
0x53: {  	[tilespmem:s10+$0x10] =	vst v1;
	v31 =	vshra.s32 v27, $0x1;
	v49 =	vmul.f32 v62, v17;
	v58 =	vmul.f32 v46, v50  }
0x54: {  	[tilespmem:s9+$0x30] =	vst v44;
	v46 =	vsub.s32 $0x5F3759DF, v37;
	v50 =	vmul.f32 v52, v63;
	v37 =	vmul.f32 $5.000000000e-01, v27  }
0x55: {  	[tilespmem:s9+$0x10] =	vst v0;
	v31 =	vsub.s32 $0x5F3759DF, v31;
	v59 =	vmul.f32 v33, v51;
	v53 =	vmul.f32 v54, v53  }
0x56: {  	v52 =	vsub.f32 $1.500000000e+00, v43;
	v33 =	vmul.f32 $5.000000000e-01, v16;
	v54 =	vmul.f32 v39, v47;
	[tilespmem:s11+$0x20] =	vst v58  }
0x57: {  	s12 =	simm.s32 $0x10;
	s13 =	simm.s32 $0x1C0;
	v3 =	vmovc v2;
	v51 =	vsub.f32 $1.500000000e+00, v56;
	v47 =	vmul.f32 v38, v61;
	v45 =	vmul.f32 v60, v22;
	[tilespmem:s11+$0x10] =	vst v59  }
.LBB2_2:
0x58: {  	v58 =	vmul.f32 $5.000000000e-01, v15  }
0x59: {  	v42 =	vmul.f32 v35, v42;
	v57 =	vmul.f32 v24, v33  }
0x5a: {  	v1 =	vld [tilespmem:$0x1FFC0];
	v43 =	vmul.f32 v26, v48;
	v59 =	vsub.f32 $1.500000000e+00, v45;
	v48 =	vmul.f32 v55, v41  }
0x5b: {  	v56 =	vld [tilespmem:s13+$0xFFFFFFD0];
	v26 =	vmovc v46;
	v46 =	vsub.f32 $1.500000000e+00, v54;
	v62 =	vmul.f32 v31, v37;
	v51 =	vmul.f32 v51, v19  }
0x5c: {  	v44 =	vld [tilespmem:s13+$0x20];
	v60 =	vsub.f32 $1.500000000e+00, v47;
	v40 =	vmul.f32 v52, v40;
	v55 =	vmul.f32 v26, v58  }
0x5d: {  	v63 =	vld [tilespmem:s13+$0xFFFFFFF0];
	v61 =	vmul.f32 v43, v25;
	v25 =	vmovc v58;
	v58 =	vsub.f32 $1.500000000e+00, v34;
	v34 =	vmul.f32 v53, v4  }
0x5e: {  	v45 =	vld [tilespmem:s13+$0x10];
	v42 =	vsub.f32 $1.500000000e+00, v42;
	v59 =	vmul.f32 v59, v22;
	v40 =	vmul.f32 v40, v3  }
0x5f: {  	v2 =	vld [tilespmem:$0x1FFB0];
	v36 =	vsub.f32 $1.500000000e+00, v36;
	v4 =	vmovc v7;
	v39 =	vmul.f32 v39, v46;
	v51 =	vmul.f32 v51, v1  }
0x60: {  	v7 =	vmovc v15;
	v15 =	vld [tilespmem:s13+$0xFFFFFFC0];
	v55 =	vmul.f32 v26, v55;
	v42 =	vmul.f32 v35, v42;
	v47 =	vshra.s32 v56, $0x1;
	[tilespmem:s9+$0xFFFFFFC0] =	vst v34  }
0x61: {  	v19 =	vmovc v41;
	v41 =	vmul.f32 $5.000000000e-01, v56;
	v34 =	vmul.f32 v24, v57;
	v57 =	vsub.f32 $1.500000000e+00, v23;
	[tilespmem:s9+$0xFFFFFFF0] =	vst v51;
	v51 =	vld [tilespmem:$0x1FFD0]  }
0x62: {  	v53 =	vld [tilespmem:s13+$0x0];
	v22 =	vmovc v50;
	v3 =	vmovc v5;
	v52 =	vmul.f32 $5.000000000e-01, v44;
	v59 =	vmul.f32 v59, v6;
	v35 =	vsub.s32 $0x5F3759DF, v47  }
0x63: {  	v23 =	vmovc v49;
	v49 =	vshra.s32 v45, $0x1;
	v47 =	vmul.f32 v42, v32;
	v32 =	vmovc v41;
	v41 =	vshra.s32 v44, $0x1  }
0x64: {  	v6 =	vmovc v10;
	v10 =	vmovc v27;
	[tilespmem:s9+$0x0] =	vst v40;
	v0 =	vmul.f32 $5.000000000e-01, v45;
	v27 =	vsub.s32 $0x5F3759DF, v41;
	v41 =	vmul.f32 v57, v12  }
0x65: {  	v50 =	vld [tilespmem:s13+$0xFFFFFFE0];
	v40 =	vmul.f32 v21, v58;
	v49 =	vsub.s32 $0x5F3759DF, v49;
	v12 =	vmovc v17;
	v17 =	vmovc v42;
	v42 =	vmul.f32 v27, v52  }
0x66: {  	v54 =	vld [tilespmem:s13+$0x30];
	v1 =	vmovc v9;
	[tilespmem:s9+$0xFFFFFFE0] =	vst v59;
	v59 =	vmul.f32 v49, v0;
	v41 =	vmul.f32 v41, v2;
	v2 =	vmov v51  }
0x67: {  	v5 =	vmovc v16;
	v58 =	vmul.f32 v39, v28;
	[tilespmem:$0x1FFC0] =	vst v1;
	v9 =	vshra.s32 v53, $0x1;
	v16 =	vmul.f32 v27, v42  }
0x68: {  	v1 =	vshra.s32 v15, $0x1;
	v51 =	vsub.s32 $0x5F3759DF, v9;
	v9 =	vmul.f32 v49, v59;
	[tilespmem:s9+$0xFFFFFFD0] =	vst v41  }
0x69: {  	v57 =	vshra.s32 v63, $0x1;
	v46 =	vsub.s32 $0x5F3759DF, v1;
	v42 =	vmul.f32 v35, v32;
	[tilespmem:$0x1FFB0] =	vst v2;
	v2 =	vmovc v11  }
0x6a: {  	v21 =	vmovc v24;
	v59 =	vshra.s32 v50, $0x1;
	v41 =	vsub.f32 $1.500000000e+00, v9;
	[tilespmem:$0x1FFD0] =	vst v2;
	v2 =	vsub.f32 $1.500000000e+00, v16  }
0x6b: {  	v11 =	vmovc v56;
	v56 =	vsub.s32 $0x5F3759DF, v59;
	v59 =	vmul.f32 v36, v29;
	v16 =	vmovc v53;
	v53 =	vmul.f32 $5.000000000e-01, v54  }
0x6c: {  	v24 =	vmovc v51;
	v51 =	vsub.f32 $1.500000000e+00, v48;
	v29 =	vmovc v39;
	v49 =	vmul.f32 v49, v41;
	v2 =	vmul.f32 v27, v2  }
0x6d: {  	v48 =	vsub.f32 $1.500000000e+00, v55;
	v41 =	vmul.f32 v38, v60;
	v36 =	vmul.f32 v58, v29  }
0x6e: {  	v9 =	vmovc v13;
	v13 =	vmovc v63;
	v63 =	vshra.s32 v54, $0x1;
	v60 =	vmul.f32 v61, v43;
	v1 =	vmul.f32 v2, v52  }
0x6f: {  	v38 =	vsub.s32 $0x5F3759DF, v57;
	v61 =	vmul.f32 v31, v62;
	v0 =	vmul.f32 v49, v0  }
0x70: {  	v39 =	vsub.s32 $0x5F3759DF, v63;
	v63 =	vmul.f32 v22, v20;
	v1 =	vmul.f32 v1, v2  }
0x71: {  	v27 =	vmovc v50;
	v50 =	vmul.f32 $5.000000000e-01, v13;
	v62 =	vsub.f32 $1.500000000e+00, v60;
	v0 =	vmul.f32 v0, v49  }
0x72: {  	v20 =	vmovc v37;
	v28 =	vmovc v53;
	v55 =	vmul.f32 v41, v30;
	v37 =	vmul.f32 $5.000000000e-01, v27;
	v1 =	vsub.f32 $1.500000000e+00, v1  }
0x73: {  	v52 =	vmul.f32 v59, v8;
	v8 =	vmovc v14;
	v14 =	vmovc v54;
	v54 =	vmul.f32 v39, v28;
	v0 =	vsub.f32 $1.500000000e+00, v0  }
0x74: {  	s12 =	sadd.s32 $0x8, s12;
	v57 =	vmul.f32 v38, v50;
	v1 =	vmul.f32 v1, v2  }
0x75: {  	p0 =	slt.u32 s12, $0xF8;
	v53 =	vmul.f32 v62, v43;
	v0 =	vmul.f32 v0, v49  }
.Ltmp0:
0x76: {  	v2 =	vmul.f32 v40, v18;
	v1 =	vmul.f32 v1, v44;
	(pc) =	sbr.rel @p0 .LBB2_2-.Ltmp0, $4  }
0x77: {  	v54 =	vmul.f32 v39, v54;
	v49 =	vmul.f32 v47, v17  }
0x78: {  	s9 =	smov.u32 s10;
	v0 =	vmul.f32 v0, v45;
	v2 =	vmul.f32 v2, v40;
	[tilespmem:s13+$0x20] =	vst v1;
	v1 =	vsub.f32 $1.500000000e+00, v61  }
0x79: {  	v30 =	vmovc v50;
	[tilespmem:s9+$0x30] =	vst v52;
	v47 =	vmul.f32 v38, v57;
	v18 =	vmov v33;
	v33 =	vmul.f32 $5.000000000e-01, v16  }
0x7a: {  	s10 =	smov.u32 s11;
	s11 =	smov.u32 s13;
	v45 =	vmul.f32 v63, v22;
	[tilespmem:s13+$0x10] =	vst v0;
	v52 =	vsub.f32 $1.500000000e+00, v2;
	s13 =	sadd.s32 $0x80, s13;
	v50 =	vmul.f32 v31, v1;
	v31 =	vmovc v56  }
0x7b: {  	v0 =	vmul.f32 v35, v42  }
0x7c: {  	v1 =	vmul.f32 $5.000000000e-01, v15;
	v2 =	vmul.f32 v26, v48  }
0x7d: {  	v62 =	vmul.f32 v24, v33;
	v42 =	vmul.f32 v55, v41  }
0x7e: {  	v53 =	vmul.f32 v53, v4;
	v19 =	vmul.f32 v51, v19  }
0x7f: {  	v23 =	vsub.f32 $1.500000000e+00, v23;
	v63 =	vsub.f32 $1.500000000e+00, v54;
	v40 =	vmul.f32 v52, v40  }
0x80: {  	v55 =	vsub.f32 $1.500000000e+00, v34;
	v20 =	vmul.f32 v50, v20;
	v43 =	vmul.f32 v46, v1  }
0x81: {  	v59 =	vsub.f32 $1.500000000e+00, v47;
	v25 =	vmul.f32 v2, v25;
	v26 =	vmul.f32 v24, v62  }
0x82: {  	v44 =	vsub.f32 $1.500000000e+00, v45;
	v12 =	vmul.f32 v23, v12;
	v58 =	vmul.f32 v39, v63  }
0x83: {  	v56 =	vld [tilespmem:$0x1FFC0];
	v0 =	vsub.f32 $1.500000000e+00, v0;
	v21 =	vmul.f32 v21, v55;
	v23 =	vmul.f32 v38, v59  }
0x84: {  	v61 =	vld [tilespmem:$0x1FFB0];
	v22 =	vmul.f32 v44, v22;
	v60 =	vmul.f32 v40, v3  }
0x85: {  	v20 =	vmul.f32 v20, v50;
	v0 =	vmul.f32 v35, v0  }
0x86: {  	v35 =	vmul.f32 v31, v37;
	v28 =	vmul.f32 v58, v28  }
0x87: {  	v63 =	vmul.f32 v46, v43;
	v25 =	vmul.f32 v25, v2  }
0x88: {  	v62 =	vsub.f32 $1.500000000e+00, v36;
	v18 =	vmul.f32 v21, v18;
	v54 =	vmul.f32 v22, v6  }
0x89: {  	v57 =	vmul.f32 v19, v56;
	v12 =	vmul.f32 v12, v61  }
0x8a: {  	v40 =	vsub.f32 $1.500000000e+00, v26;
	v22 =	vmul.f32 v62, v29;
	v6 =	vmul.f32 v23, v30  }
0x8b: {  	v20 =	vsub.f32 $1.500000000e+00, v20;
	v32 =	vmul.f32 v0, v32;
	v28 =	vmul.f32 v28, v58  }
0x8c: {  	v3 =	vmul.f32 v31, v35;
	v25 =	vsub.f32 $1.500000000e+00, v25;
	v18 =	vmul.f32 v18, v21  }
0x8d: {  	v4 =	vsub.f32 $1.500000000e+00, v63;
	v44 =	vmul.f32 v24, v40;
	v8 =	vmul.f32 v22, v8  }
0x8e: {  	v35 =	vsub.f32 $1.500000000e+00, v42;
	v39 =	vmul.f32 v20, v50;
	v2 =	vmul.f32 v25, v2  }
0x8f: {  	[tilespmem:s9+$0xFFFFFFC0] =	vst v53;
	v22 =	vmul.f32 v46, v4;
	v36 =	vmul.f32 v32, v0  }
0x90: {  	[tilespmem:s9+$0x0] =	vst v60;
	v29 =	vsub.f32 $1.500000000e+00, v3;
	v25 =	vmul.f32 v6, v23;
	v42 =	vmul.f32 v35, v41  }
0x91: {  	[tilespmem:s9+$0xFFFFFFE0] =	vst v54;
	v38 =	vsub.f32 $1.500000000e+00, v18;
	v47 =	vmul.f32 v44, v33;
	v10 =	vmul.f32 v39, v10  }
0x92: {  	[tilespmem:s9+$0xFFFFFFF0] =	vst v57;
	v46 =	vsub.f32 $1.500000000e+00, v28;
	v29 =	vmul.f32 v31, v29;
	v1 =	vmul.f32 v22, v1  }
0x93: {  	[tilespmem:s9+$0xFFFFFFD0] =	vst v12;
	v2 =	vmul.f32 v2, v7;
	v6 =	vmul.f32 v38, v21  }
0x94: {  	v43 =	vsub.f32 $1.500000000e+00, v49;
	[tilespmem:s10+$0x30] =	vst v8;
	v49 =	vmul.f32 v42, v9;
	v51 =	vmul.f32 v46, v58  }
0x95: {  	v52 =	vmul.f32 v47, v44;
	v55 =	vsub.f32 $1.500000000e+00, v25;
	[tilespmem:s10+$0xFFFFFFE0] =	vst v10;
	v45 =	vmul.f32 v29, v37  }
0x96: {  	v59 =	vsub.f32 $1.500000000e+00, v36;
	v1 =	vmul.f32 v1, v22;
	[tilespmem:s10+$0xFFFFFFC0] =	vst v2;
	v50 =	vmul.f32 v6, v5  }
0x97: {  	v56 =	vmul.f32 v51, v14;
	v57 =	vsub.f32 $1.500000000e+00, v52;
	v2 =	vmul.f32 v55, v23;
	v54 =	vld [tilespmem:$0x1FFD0]  }
0x98: {  	v0 =	vmul.f32 v59, v0;
	[tilespmem:s10+$0xFFFFFFF0] =	vst v49;
	v48 =	vmul.f32 v45, v29  }
0x99: {  	v1 =	vsub.f32 $1.500000000e+00, v1;
	[tilespmem:s10+$0x0] =	vst v50;
	v60 =	vmul.f32 v57, v44;
	v62 =	vmul.f32 v2, v13  }
0x9a: {  	v20 =	vmul.f32 v43, v17;
	[tilespmem:s11+$0x30] =	vst v56;
	v0 =	vmul.f32 v0, v11;
	v53 =	vsub.f32 $1.500000000e+00, v48  }
0x9b: {  	v1 =	vmul.f32 v1, v22;
	v63 =	vmul.f32 v60, v16;
	[tilespmem:s11+$0xFFFFFFF0] =	vst v62  }
0x9c: {  	[tilespmem:s11+$0xFFFFFFD0] =	vst v0;
	v3 =	vmul.f32 v20, v54;
	v58 =	vmul.f32 v53, v29  }
0x9d: {  	v1 =	vmul.f32 v1, v15;
	[tilespmem:s11+$0x0] =	vst v63  }
0x9e: {  	s8 =	sadd.s32 $0x1, s8;
	[tilespmem:s10+$0xFFFFFFD0] =	vst v3;
	v61 =	vmul.f32 v58, v27  }
0x9f: {  	p0 =	sne.s32 s8, s5;
	[tilespmem:s11+$0xFFFFFFC0] =	vst v1  }
.Ltmp1:
0xa0: {  	[tilespmem:s11+$0xFFFFFFE0] =	vst v61;
	(pc) =	sbr.rel @p0 .LBB2_1-.Ltmp1, $4  }
0xa1: {  	[hbm4b:s4+s2] =	stream.linear.scatter [tilespmem:s2], [sflag:$0x2], $0x1000, $0x38;
	[tilespmem:$0x1000] =	vst v63  }
0xa2: {  	_ =	swait.ge [sflag:s7], $0x1000  }
0xa3: {  	[sflag:s7] =	ssyncset.done $0x0  }
0xa4: {  	[sflag:s7] =	ssyncadd.s32 $0xFFFFF000  }
0xa5: {  	_ =	sfence.sel $0x180000  }
0xa6: {  	[bflag:$0x0] =	sbarrier.arrive $0xFFFF  }
0xa7: {  	p0 =	sne.s32 s1, $0x0;
	_ =	strace $0x90000047  }
0xa8: {  	s0 =	sadd.s32 @!p0 $0x100000, s0;
	[bflag:$0x2] =	sbarrier.arrive $0xFFFF  }
0xa9: {  	[sflag:s0] =	ssyncadd.tile.s32 @!p0 $0x1;
	_ =	shalt  }
.Lfunc_end2:
_tile_overlayer_lowered:
.L_overlay_start_2:
0xaa: {  	(tag) =	ssettag $0x2  }
0xab: {  	s0 =	rddreg [dreg:$0x0];
	s2 =	stileid.u32  }
0xac: {  	s1 =	rddreg [dreg:$0x1];
	p0 =	sne.s32 s2, $0x0  }
0xad: {  	s3 =	rddreg [dreg:$0x2];
	[bflag:$0x3] =	sbarrier.arrive $0xFFFF;
	s2 =	simm.s32 @!p0 $0x1C03  }
0xae: {  	[timem:s3], [sflag:s2] =	dma.local @!p0 [hbm:s0], s1  }
0xaf: {  	s0 =	simm.s32 @!p0 $0x3  }
0xb0: {  	_ =	swait.ge @!p0 [sflag:s0], s1  }
0xb1: {  	s1 =	ssub.s32 @!p0 $0x0, s1;
	[sflag:s0] =	ssyncset.done @!p0 $0x0  }
0xb2: {  	[sflag:s0] =	ssyncadd.s32 @!p0 s1  }
0xb3: {  	[bflag:$0x3] =	sbarrier.arrive $0xFFFF  }
0xb4: {  	_ =	shalt  }

</sc_bundles>
